<compile_context>
chip_gen: v7x
topology: tpu7x:2x2x1
jax: 0.10.2.dev20260603
libtpu: 0.0.44.dev20260713+nightly
codegen_flags: <defaults>
</compile_context>

<pallas_src>
import jax
import jax.numpy as jnp
from jax import lax
from jax.experimental import pallas as pl
from jax.experimental.pallas import tpu as pltpu
from jax.experimental.pallas import tpu_sc as plsc

V = 1000000
D = 16
H = 64
B = 4096
L = 50

NC, NS = 2, 16
NW = NC * NS
ROWS = B * L
RPW = ROWS // NW
CHUNK = 128
NCHUNK = RPW // CHUNK


def _gather_body(emb_hbm, idx_hbm, out_hbm, idx_v, rows_v, sem):
    wid = lax.axis_index("s") * NC + lax.axis_index("c")
    pltpu.sync_copy(idx_hbm.at[wid], idx_v)

    def fire(j, carry):
        pltpu.async_copy(emb_hbm.at[idx_v.at[j]], rows_v.at[j], sem)
        return carry

    lax.fori_loop(0, NCHUNK, fire, 0)

    def drain(j, carry):
        pltpu.make_async_copy(emb_hbm.at[idx_v.at[j]], rows_v.at[j],
                              sem).wait()
        return carry

    lax.fori_loop(0, NCHUNK, drain, 0)
    pltpu.sync_copy(rows_v, out_hbm.at[pl.ds(wid * NCHUNK, NCHUNK)])


_gather_cache = []


def _gather(emb, idx):
    if not _gather_cache:
        _gather_cache.append(pl.kernel(
            _gather_body,
            out_type=jax.ShapeDtypeStruct((NW * NCHUNK, CHUNK, D),
                                          emb.dtype),
            mesh=plsc.VectorSubcoreMesh(
                core_axis_name="c", subcore_axis_name="s",
                num_cores=NC, num_subcores=NS),
            scratch_types=[
                pltpu.VMEM((NCHUNK, CHUNK), jnp.int32),
                pltpu.VMEM((NCHUNK, CHUNK, D), emb.dtype),
                pltpu.SemaphoreType.DMA,
            ],
            compiler_params=pltpu.CompilerParams(use_tc_tiling_on_sc=False),
        ))
    return _gather_cache[0](emb, idx)


BB = 2048


def _lstm_mlp_body(e_ref, wc_ref, w1_ref, b1_ref,
                   w2_ref, b2_ref, w3_ref, b3_ref, w4_ref, b4_ref,
                   w5_ref, b5_ref, out_ref, et_ref, xh_ref):
    et_ref[:] = jnp.transpose(e_ref[:], (1, 0))
    xh_ref[D + H:D + H + 1, :] = jnp.ones((1, BB), jnp.float32)

    def step(t, hc):
        h, c = hc
        xh_ref[0:D, :] = et_ref[pl.ds(t * D, D), :]
        xh_ref[D:D + H, :] = h
        g = jnp.dot(wc_ref[:], xh_ref[:],
                    preferred_element_type=jnp.float32)
        i_g = 0.5 + 0.5 * jnp.tanh(0.5 * g[0:H])
        f_g = 0.5 + 0.5 * jnp.tanh(0.5 * g[H:2 * H])
        g_g = jnp.tanh(g[2 * H:3 * H])
        o_g = 0.5 + 0.5 * jnp.tanh(0.5 * g[3 * H:4 * H])
        c = f_g * c + i_g * g_g
        h = o_g * jnp.tanh(c)
        return (h, c)

    h0 = jnp.zeros((H, BB), jnp.float32)
    c0 = jnp.zeros((H, BB), jnp.float32)
    h, _ = lax.fori_loop(0, L, step, (h0, c0))

    a = jax.nn.relu(h)
    a = jax.nn.relu(jnp.dot(w1_ref[:], a, preferred_element_type=jnp.float32)
                    + b1_ref[:])
    a = jax.nn.relu(jnp.dot(w2_ref[:], a, preferred_element_type=jnp.float32)
                    + b2_ref[:])
    a = jax.nn.relu(jnp.dot(w3_ref[:], a, preferred_element_type=jnp.float32)
                    + b3_ref[:])
    a = jax.nn.relu(jnp.dot(w4_ref[:], a, preferred_element_type=jnp.float32)
                    + b4_ref[:])
    a = jax.nn.sigmoid(jnp.dot(w5_ref[:], a, preferred_element_type=jnp.float32)
                       + b5_ref[:])
    out_ref[:] = a


def _full(shape):
    return pl.BlockSpec(shape, lambda *_: tuple(0 for _ in shape))


def _lstm_mlp(e, wc, w1, b1, w2, b2, w3, b3, w4, b4, w5, b5,
              interpret=False):
    return pl.pallas_call(
        _lstm_mlp_body,
        grid=(B // BB,),
        scratch_shapes=[pltpu.VMEM((L * D, BB), jnp.float32),
                        pltpu.VMEM((D + H + 1, BB), jnp.float32)],
        in_specs=[
            pl.BlockSpec((BB, L * D), lambda i: (i, 0)),
            _full(wc.shape),
            _full(w1.shape), _full(b1.shape),
            _full(w2.shape), _full(b2.shape),
            _full(w3.shape), _full(b3.shape),
            _full(w4.shape), _full(b4.shape),
            _full(w5.shape), _full(b5.shape),
        ],
        out_specs=pl.BlockSpec((1, BB), lambda i: (0, i)),
        out_shape=jax.ShapeDtypeStruct((1, B), jnp.float32),
        interpret=interpret,
    )(e, wc, w1, b1, w2, b2, w3, b3, w4, b4, w5, b5)


def kernel(x, emb, W_ih, W_hh, b_ih, b_hh, W1, b1, W2, b2, W3, b3, W4, b4,
           W5, b5):
    idx = x.astype(jnp.int32).reshape(NW, NCHUNK, CHUNK)
    e = _gather(emb, idx)
    e = e.reshape(B, L * D)
    bg = (b_ih + b_hh).reshape(4 * H, 1)
    wc = jnp.concatenate([W_ih, W_hh, bg], axis=1)
    out = _lstm_mlp(
        e, wc,
        W1, b1.reshape(-1, 1), W2, b2.reshape(-1, 1),
        W3, b3.reshape(-1, 1), W4, b4.reshape(-1, 1),
        W5, b5.reshape(1, 1))
    return out.reshape(B, 1)

# --- scband reference (transcript-rebuilt; emitter-appended) ---
"""Pipeline reference for scband-language-classifier-26164940767726 (READ-ONLY COPY).

The authoritative reference and input builder live on the scoring server;
editing this copy changes nothing except your own understanding.
"""

import jax, jax.numpy as jnp
import numpy as np

V = 1000000
D = 16
H = 64
B = 4096
L = 50


def setup_inputs(seed: int = 0) -> dict:
    key = jax.random.key(seed)
    ks = jax.random.split(key, 18)
    x = jax.random.randint(ks[0], (B, L), 0, V)
    emb = jax.random.normal(ks[1], (V, D), jnp.float32) * 0.1
    W_ih = jax.random.normal(ks[2], (4 * H, D), jnp.float32) * 0.1
    W_hh = jax.random.normal(ks[3], (4 * H, H), jnp.float32) * 0.1
    b_ih = jax.random.normal(ks[4], (4 * H,), jnp.float32) * 0.05
    b_hh = jax.random.normal(ks[5], (4 * H,), jnp.float32) * 0.05
    W1 = jax.random.normal(ks[6], (64, H), jnp.float32) * 0.1
    b1 = jnp.zeros((64,), jnp.float32)
    W2 = jax.random.normal(ks[7], (128, 64), jnp.float32) * 0.1
    b2 = jnp.zeros((128,), jnp.float32)
    W3 = jax.random.normal(ks[8], (64, 128), jnp.float32) * 0.1
    b3 = jnp.zeros((64,), jnp.float32)
    W4 = jax.random.normal(ks[9], (32, 64), jnp.float32) * 0.1
    b4 = jnp.zeros((32,), jnp.float32)
    W5 = jax.random.normal(ks[10], (1, 32), jnp.float32) * 0.1
    b5 = jnp.zeros((1,), jnp.float32)
    return {"x": x, "emb": emb, "W_ih": W_ih, "W_hh": W_hh, "b_ih": b_ih, "b_hh": b_hh,
            "W1": W1, "b1": b1, "W2": W2, "b2": b2, "W3": W3, "b3": b3,
            "W4": W4, "b4": b4, "W5": W5, "b5": b5}


def reference(x, emb, W_ih, W_hh, b_ih, b_hh, W1, b1, W2, b2, W3, b3, W4, b4, W5, b5):
    # embedding lookup (SparseCore gather)
    e = jnp.take(emb, x, axis=0)          # [B, L, D]
    xs = jnp.transpose(e, (1, 0, 2))       # [L, B, D] time-major for scan
    b = e.shape[0]
    h0 = jnp.zeros((b, H), jnp.float32)
    c0 = jnp.zeros((b, H), jnp.float32)

    def step(carry, xt):
        h, c = carry
        g = xt @ W_ih.T + b_ih + h @ W_hh.T + b_hh
        i_g, f_g, g_g, o_g = jnp.split(g, 4, axis=-1)  # PyTorch gate order i,f,g,o
        i_g = jax.nn.sigmoid(i_g)
        f_g = jax.nn.sigmoid(f_g)
        g_g = jnp.tanh(g_g)
        o_g = jax.nn.sigmoid(o_g)
        c_new = f_g * c + i_g * g_g
        h_new = o_g * jnp.tanh(c_new)
        return (h_new, c_new), None

    (hn, cn), _ = jax.lax.scan(step, (h0, c0), xs)
    out = jax.nn.relu(hn)
    out = jax.nn.relu(out @ W1.T + b1)
    out = jax.nn.relu(out @ W2.T + b2)
    out = jax.nn.relu(out @ W3.T + b3)
    out = jax.nn.relu(out @ W4.T + b4)
    out = jax.nn.sigmoid(out @ W5.T + b5)
    return out

if __name__ == "__main__":
    import jax
    _d = setup_inputs()
    print(jax.jit(kernel)(*tuple(_d.values())))

</pallas_src>

<mosaic_0001>
#map = affine_map<(d0, d1) -> (0, 0)>
#map1 = affine_map<(d0, d1) -> (0, 0, 0)>
module attributes {stable_mosaic.version = 14 : i64} {
  func.func @_gather_body(%arg0: i32, %arg1: i32, %arg2: memref<1000000x16xf32, #tpu.memory_space<hbm>>, %arg3: memref<32x50x128xi32, #tpu.memory_space<hbm>>, %arg4: memref<1600x128x16xf32, #tpu.memory_space<hbm>>, %arg5: memref<50x128xi32, #tpu.memory_space<vmem>>, %arg6: memref<50x128x16xf32, #tpu.memory_space<vmem>>, %arg7: memref<!tpu.dma_semaphore, #tpu.memory_space<semaphore_mem>>) attributes {dimension_semantics = [#tpu.dimension_semantics<core_parallel>, #tpu.dimension_semantics<subcore_parallel>], iteration_bounds = array<i64: 2, 16>, scalar_prefetch = 0 : i64, scratch_operands = 3 : i64, tpu.core_type = #tpu.core_type<sc_vector_subcore>, window_params = [{transform_indices = #map}, {transform_indices = #map1}, {transform_indices = #map1}]} {
    %mul3A = arith.constant 2 : i32
    %mul3A_0 = arith.muli %arg1, %mul3A : i32
    %add3A = arith.addi %mul3A_0, %arg0 : i32
    "tpu.region"() ({
      %run_scoped3A = tpu.sem_alloc : memref<!tpu.dma_semaphore, #tpu.memory_space<semaphore_mem>>
      %dma_start3A = arith.constant 0 : i32
      %dma_start3A_14 = arith.constant 0 : i32
      %dma_start3A_15 = tpu.memref_slice %arg3[%add3A, %dma_start3A, %dma_start3A_14] : memref<32x50x128xi32, #tpu.memory_space<hbm>> -> memref<1x50x128xi32, #tpu.memory_space<hbm>>
      %dma_start3A_16 = tpu.memref_squeeze %dma_start3A_15 : memref<1x50x128xi32, #tpu.memory_space<hbm>> -> memref<50x128xi32, #tpu.memory_space<hbm>>
      %dma_start3A_17 = arith.constant 0 : i32
      %dma_start3A_18 = arith.constant 0 : i32
      %dma_start3A_19 = tpu.memref_slice %arg3[%add3A, %dma_start3A_17, %dma_start3A_18] : memref<32x50x128xi32, #tpu.memory_space<hbm>> -> memref<1x50x128xi32, #tpu.memory_space<hbm>>
      %dma_start3A_20 = tpu.memref_squeeze %dma_start3A_19 : memref<1x50x128xi32, #tpu.memory_space<hbm>> -> memref<50x128xi32, #tpu.memory_space<hbm>>
      tpu.enqueue_dma source(%dma_start3A_20 : memref<50x128xi32, #tpu.memory_space<hbm>>) target(%arg5 : memref<50x128xi32, #tpu.memory_space<vmem>>) target_semaphore(%run_scoped3A : memref<!tpu.dma_semaphore, #tpu.memory_space<semaphore_mem>>)
      %dma_wait3A = arith.constant 0 : i32
      %dma_wait3A_21 = arith.constant 0 : i32
      %dma_wait3A_22 = tpu.memref_slice %arg3[%add3A, %dma_wait3A, %dma_wait3A_21] : memref<32x50x128xi32, #tpu.memory_space<hbm>> -> memref<1x50x128xi32, #tpu.memory_space<hbm>>
      %dma_wait3A_23 = tpu.memref_squeeze %dma_wait3A_22 : memref<1x50x128xi32, #tpu.memory_space<hbm>> -> memref<50x128xi32, #tpu.memory_space<hbm>>
      %dma_wait3A_24 = arith.constant 0 : i32
      %dma_wait3A_25 = arith.constant 0 : i32
      %dma_wait3A_26 = tpu.memref_slice %arg3[%add3A, %dma_wait3A_24, %dma_wait3A_25] : memref<32x50x128xi32, #tpu.memory_space<hbm>> -> memref<1x50x128xi32, #tpu.memory_space<hbm>>
      %dma_wait3A_27 = tpu.memref_squeeze %dma_wait3A_26 : memref<1x50x128xi32, #tpu.memory_space<hbm>> -> memref<50x128xi32, #tpu.memory_space<hbm>>
      tpu.wait_dma2 semaphore(%run_scoped3A : memref<!tpu.dma_semaphore, #tpu.memory_space<semaphore_mem>>) src(%dma_wait3A_27 : memref<50x128xi32, #tpu.memory_space<hbm>>) dst(%arg5 : memref<50x128xi32, #tpu.memory_space<vmem>>)
      tpu.yield
    }) : () -> ()
    %scan3A = arith.constant 0 : i32
    %scan3A_1 = arith.constant 0 : i32
    %scan3A_2 = arith.constant 50 : i32
    %scan3A_3 = arith.addi %scan3A_1, %scan3A_2 : i32
    %scan3A_4 = arith.constant 1 : i32
    scf.for %scan3A_14 = %scan3A_1 to %scan3A_3 step %scan3A_4  : i32 {
      %dma_start3A = arith.constant 0 : i32
      %dma_start3A_15 = arith.constant 0 : i32
      %dma_start3A_16 = tpu.memref_slice %arg6[%scan3A_14, %dma_start3A, %dma_start3A_15] : memref<50x128x16xf32, #tpu.memory_space<vmem>> -> memref<1x128x16xf32, #tpu.memory_space<vmem>>
      %dma_start3A_17 = tpu.memref_squeeze %dma_start3A_16 : memref<1x128x16xf32, #tpu.memory_space<vmem>> -> memref<128x16xf32, #tpu.memory_space<vmem>>
      %dma_start3A_18 = arith.constant 0 : i32
      %dma_start3A_19 = tpu.memref_slice %arg5[%scan3A_14, %dma_start3A_18] : memref<50x128xi32, #tpu.memory_space<vmem>> -> memref<1x128xi32, #tpu.memory_space<vmem>>
      %dma_start3A_20 = tpu.memref_squeeze %dma_start3A_19 : memref<1x128xi32, #tpu.memory_space<vmem>> -> memref<128xi32, #tpu.memory_space<vmem>>
      %dma_start3A_21 = arith.constant 0 : i32
      %dma_start3A_22 = arith.constant 0 : i32
      %dma_start3A_23 = tpu.memref_slice %arg2[%dma_start3A_21, %dma_start3A_22] : memref<1000000x16xf32, #tpu.memory_space<hbm>> -> memref<1000000x16xf32, #tpu.memory_space<hbm>>
      tpu.enqueue_indirect_dma source(%dma_start3A_23 : memref<1000000x16xf32, #tpu.memory_space<hbm>>) target(%dma_start3A_17 : memref<128x16xf32, #tpu.memory_space<vmem>>) offsets(%dma_start3A_20 : memref<128xi32, #tpu.memory_space<vmem>>) semaphore(%arg7 : memref<!tpu.dma_semaphore, #tpu.memory_space<semaphore_mem>>)
    }
    %scan3A_5 = arith.constant 50 : i32
    %scan3A_6 = arith.constant 0 : i32
    %scan3A_7 = arith.constant 0 : i32
    %scan3A_8 = arith.constant 50 : i32
    %scan3A_9 = arith.addi %scan3A_7, %scan3A_8 : i32
    %scan3A_10 = arith.constant 1 : i32
    scf.for %scan3A_14 = %scan3A_7 to %scan3A_9 step %scan3A_10  : i32 {
      %dma_wait3A = arith.constant 0 : i32
      %dma_wait3A_15 = arith.constant 0 : i32
      %dma_wait3A_16 = tpu.memref_slice %arg6[%scan3A_14, %dma_wait3A, %dma_wait3A_15] : memref<50x128x16xf32, #tpu.memory_space<vmem>> -> memref<1x128x16xf32, #tpu.memory_space<vmem>>
      %dma_wait3A_17 = tpu.memref_squeeze %dma_wait3A_16 : memref<1x128x16xf32, #tpu.memory_space<vmem>> -> memref<128x16xf32, #tpu.memory_space<vmem>>
      %dma_wait3A_18 = arith.constant 0 : i32
      %dma_wait3A_19 = tpu.memref_slice %arg5[%scan3A_14, %dma_wait3A_18] : memref<50x128xi32, #tpu.memory_space<vmem>> -> memref<1x128xi32, #tpu.memory_space<vmem>>
      %dma_wait3A_20 = tpu.memref_squeeze %dma_wait3A_19 : memref<1x128xi32, #tpu.memory_space<vmem>> -> memref<128xi32, #tpu.memory_space<vmem>>
      %dma_wait3A_21 = arith.constant 0 : i32
      %dma_wait3A_22 = arith.constant 0 : i32
      %dma_wait3A_23 = tpu.memref_slice %arg2[%dma_wait3A_21, %dma_wait3A_22] : memref<1000000x16xf32, #tpu.memory_space<hbm>> -> memref<1000000x16xf32, #tpu.memory_space<hbm>>
      tpu.wait_indirect_dma semaphore(%arg7 : memref<!tpu.dma_semaphore, #tpu.memory_space<semaphore_mem>>) src(%dma_wait3A_23 : memref<1000000x16xf32, #tpu.memory_space<hbm>>) dst(%dma_wait3A_17 : memref<128x16xf32, #tpu.memory_space<vmem>>)
    }
    %scan3A_11 = arith.constant 50 : i32
    %mul3A_12 = arith.constant 50 : i32
    %mul3A_13 = arith.muli %add3A, %mul3A_12 : i32
    "tpu.region"() ({
      %run_scoped3A = tpu.sem_alloc : memref<!tpu.dma_semaphore, #tpu.memory_space<semaphore_mem>>
      %dma_start3A = arith.constant 0 : i32
      %dma_start3A_14 = arith.constant 0 : i32
      %dma_start3A_15 = tpu.memref_slice %arg4[%mul3A_13, %dma_start3A, %dma_start3A_14] : memref<1600x128x16xf32, #tpu.memory_space<hbm>> -> memref<50x128x16xf32, #tpu.memory_space<hbm>>
      %dma_start3A_16 = arith.constant 0 : i32
      %dma_start3A_17 = arith.constant 0 : i32
      %dma_start3A_18 = tpu.memref_slice %arg4[%mul3A_13, %dma_start3A_16, %dma_start3A_17] : memref<1600x128x16xf32, #tpu.memory_space<hbm>> -> memref<50x128x16xf32, #tpu.memory_space<hbm>>
      tpu.enqueue_dma source(%arg6 : memref<50x128x16xf32, #tpu.memory_space<vmem>>) target(%dma_start3A_18 : memref<50x128x16xf32, #tpu.memory_space<hbm>>) target_semaphore(%run_scoped3A : memref<!tpu.dma_semaphore, #tpu.memory_space<semaphore_mem>>)
      %dma_wait3A = arith.constant 0 : i32
      %dma_wait3A_19 = arith.constant 0 : i32
      %dma_wait3A_20 = tpu.memref_slice %arg4[%mul3A_13, %dma_wait3A, %dma_wait3A_19] : memref<1600x128x16xf32, #tpu.memory_space<hbm>> -> memref<50x128x16xf32, #tpu.memory_space<hbm>>
      %dma_wait3A_21 = arith.constant 0 : i32
      %dma_wait3A_22 = arith.constant 0 : i32
      %dma_wait3A_23 = tpu.memref_slice %arg4[%mul3A_13, %dma_wait3A_21, %dma_wait3A_22] : memref<1600x128x16xf32, #tpu.memory_space<hbm>> -> memref<50x128x16xf32, #tpu.memory_space<hbm>>
      tpu.wait_dma2 semaphore(%run_scoped3A : memref<!tpu.dma_semaphore, #tpu.memory_space<semaphore_mem>>) src(%arg6 : memref<50x128x16xf32, #tpu.memory_space<vmem>>) dst(%dma_wait3A_23 : memref<50x128x16xf32, #tpu.memory_space<hbm>>)
      tpu.yield
    }) : () -> ()
    return
  }
}

module attributes {stable_mosaic.version = 14 : i64} {
  func.func @_lstm_mlp_body(%arg0: i32, %arg1: memref<2048x800xf32, #tpu.memory_space<vmem>>, %arg2: memref<256x81xf32, #tpu.memory_space<vmem>>, %arg3: memref<64x64xf32, #tpu.memory_space<vmem>>, %arg4: memref<64x1xf32, #tpu.memory_space<vmem>>, %arg5: memref<128x64xf32, #tpu.memory_space<vmem>>, %arg6: memref<128x1xf32, #tpu.memory_space<vmem>>, %arg7: memref<64x128xf32, #tpu.memory_space<vmem>>, %arg8: memref<64x1xf32, #tpu.memory_space<vmem>>, %arg9: memref<32x64xf32, #tpu.memory_space<vmem>>, %arg10: memref<32x1xf32, #tpu.memory_space<vmem>>, %arg11: memref<1x32xf32, #tpu.memory_space<vmem>>, %arg12: memref<1x1xf32, #tpu.memory_space<vmem>>, %arg13: memref<1x2048xf32, #tpu.memory_space<vmem>>, %arg14: memref<800x2048xf32, #tpu.memory_space<vmem>>, %arg15: memref<81x2048xf32, #tpu.memory_space<vmem>>) attributes {dimension_semantics = [#tpu.dimension_semantics<arbitrary>], iteration_bounds = array<i64: 2>, scalar_prefetch = 0 : i64, scratch_operands = 2 : i64, tpu.core_type = #tpu.core_type<tc>, window_params = [{transform_indices = @transform_0, window_bounds = array<i64: 2048, 800>}, {pipeline_mode = #tpu.pipeline_mode<synchronous>, transform_indices = @transform_1, window_bounds = array<i64: 256, 81>}, {pipeline_mode = #tpu.pipeline_mode<synchronous>, transform_indices = @transform_2, window_bounds = array<i64: 64, 64>}, {pipeline_mode = #tpu.pipeline_mode<synchronous>, transform_indices = @transform_3, window_bounds = array<i64: 64, 1>}, {pipeline_mode = #tpu.pipeline_mode<synchronous>, transform_indices = @transform_4, window_bounds = array<i64: 128, 64>}, {pipeline_mode = #tpu.pipeline_mode<synchronous>, transform_indices = @transform_5, window_bounds = array<i64: 128, 1>}, {pipeline_mode = #tpu.pipeline_mode<synchronous>, transform_indices = @transform_6, window_bounds = array<i64: 64, 128>}, {pipeline_mode = #tpu.pipeline_mode<synchronous>, transform_indices = @transform_7, window_bounds = array<i64: 64, 1>}, {pipeline_mode = #tpu.pipeline_mode<synchronous>, transform_indices = @transform_8, window_bounds = array<i64: 32, 64>}, {pipeline_mode = #tpu.pipeline_mode<synchronous>, transform_indices = @transform_9, window_bounds = array<i64: 32, 1>}, {pipeline_mode = #tpu.pipeline_mode<synchronous>, transform_indices = @transform_10, window_bounds = array<i64: 1, 32>}, {pipeline_mode = #tpu.pipeline_mode<synchronous>, transform_indices = @transform_11, window_bounds = array<i64: 1, 1>}, {transform_indices = @transform_12, window_bounds = array<i64: 1, 2048>}]} {
    %get3A = arith.constant 0 : index
    %get3A_0 = arith.constant 0 : index
    %get3A_1 = vector.load %arg1[%get3A, %get3A_0] : memref<2048x800xf32, #tpu.memory_space<vmem>>, vector<2048x800xf32>
    %transpose3A = tpu.transpose %get3A_1, [1, 0] : vector<2048x800xf32> -> vector<800x2048xf32>
    %swap3A = arith.constant 0 : index
    %swap3A_2 = arith.constant 0 : index
    %swap3A_3 = vector.load %arg14[%swap3A, %swap3A_2] : memref<800x2048xf32, #tpu.memory_space<vmem>>, vector<800x2048xf32>
    tpu.vector_store %arg14[%swap3A, %swap3A_2], %transpose3A {strides = array<i32>} : memref<800x2048xf32, #tpu.memory_space<vmem>>, vector<800x2048xf32>,
    %broadcast_in_dim3A = arith.constant 1.000000e+00 : f32
    %broadcast_in_dim3A_4 = vector.broadcast %broadcast_in_dim3A : f32 to vector<1x2048xf32>
    %swap3A_5 = arith.constant 80 : index
    %swap3A_6 = arith.constant 0 : index
    %swap3A_7 = vector.load %arg15[%swap3A_5, %swap3A_6] : memref<81x2048xf32, #tpu.memory_space<vmem>>, vector<1x2048xf32>
    tpu.vector_store %arg15[%swap3A_5, %swap3A_6], %broadcast_in_dim3A_4 {strides = array<i32>} : memref<81x2048xf32, #tpu.memory_space<vmem>>, vector<1x2048xf32>,
    %broadcast_in_dim3A_8 = arith.constant 0.000000e+00 : f32
    %broadcast_in_dim3A_9 = vector.broadcast %broadcast_in_dim3A_8 : f32 to vector<64x2048xf32>
    %broadcast_in_dim3A_10 = arith.constant 0.000000e+00 : f32
    %broadcast_in_dim3A_11 = vector.broadcast %broadcast_in_dim3A_10 : f32 to vector<64x2048xf32>
    %scan3A = arith.constant 0 : i32
    %scan3A_12 = arith.constant 50 : i32
    %scan3A_13 = arith.addi %scan3A, %scan3A_12 : i32
    %scan3A_14 = arith.constant 1 : i32
    %scan3A_15:2 = scf.for %scan3A_87 = %scan3A to %scan3A_13 step %scan3A_14 iter_args(%scan3A_88 = %broadcast_in_dim3A_9, %scan3A_89 = %broadcast_in_dim3A_11) -> (vector<64x2048xf32>, vector<64x2048xf32>)  : i32 {
      %mul3A = arith.constant 16 : i32
      %mul3A_90 = arith.muli %scan3A_87, %mul3A : i32
      %get3A_91 = arith.index_cast %mul3A_90 : i32 to index
      %get3A_92 = arith.constant 0 : index
      %get3A_93 = vector.load %arg14[%get3A_91, %get3A_92] : memref<800x2048xf32, #tpu.memory_space<vmem>>, vector<16x2048xf32>
      %swap3A_94 = arith.constant 0 : index
      %swap3A_95 = arith.constant 0 : index
      %swap3A_96 = vector.load %arg15[%swap3A_94, %swap3A_95] : memref<81x2048xf32, #tpu.memory_space<vmem>>, vector<16x2048xf32>
      tpu.vector_store %arg15[%swap3A_94, %swap3A_95], %get3A_93 {strides = array<i32>} : memref<81x2048xf32, #tpu.memory_space<vmem>>, vector<16x2048xf32>,
      %swap3A_97 = arith.constant 16 : index
      %swap3A_98 = arith.constant 0 : index
      %swap3A_99 = vector.load %arg15[%swap3A_97, %swap3A_98] : memref<81x2048xf32, #tpu.memory_space<vmem>>, vector<64x2048xf32>
      tpu.vector_store %arg15[%swap3A_97, %swap3A_98], %scan3A_88 {strides = array<i32>} : memref<81x2048xf32, #tpu.memory_space<vmem>>, vector<64x2048xf32>,
      %get3A_100 = arith.constant 0 : index
      %get3A_101 = arith.constant 0 : index
      %get3A_102 = vector.load %arg2[%get3A_100, %get3A_101] : memref<256x81xf32, #tpu.memory_space<vmem>>, vector<256x81xf32>
      %get3A_103 = arith.constant 0 : index
      %get3A_104 = arith.constant 0 : index
      %get3A_105 = vector.load %arg15[%get3A_103, %get3A_104] : memref<81x2048xf32, #tpu.memory_space<vmem>>, vector<81x2048xf32>
      %dot_general3A_106 = arith.constant dense<0.000000e+00> : vector<256x2048xf32>
      %dot_general3A_107 = tpu.matmul %get3A_102, %get3A_105, %dot_general3A_106 {dimension_numbers = #tpu.dot_dimension_numbers<[1], [0], [0], [1], [0, 0, 1, 1], [], []>, transpose_lhs_hint = false} : vector<256x81xf32>, vector<81x2048xf32>, vector<256x2048xf32> -> vector<256x2048xf32>
      %slice3A = vector.extract_strided_slice %dot_general3A_107 {offsets = [0, 0], sizes = [64, 2048], strides = [1, 1]} : vector<256x2048xf32> to vector<64x2048xf32>
      %mul3A_108 = arith.constant 5.000000e-01 : f32
      %mul3A_109 = vector.broadcast %mul3A_108 : f32 to vector<64x2048xf32>
      %mul3A_110 = arith.mulf %mul3A_109, %slice3A : vector<64x2048xf32>
      %tanh3A = math.tanh %mul3A_110 : vector<64x2048xf32>
      %mul3A_111 = arith.constant 5.000000e-01 : f32
      %mul3A_112 = vector.broadcast %mul3A_111 : f32 to vector<64x2048xf32>
      %mul3A_113 = arith.mulf %mul3A_112, %tanh3A : vector<64x2048xf32>
      %add3A_114 = arith.constant 5.000000e-01 : f32
      %add3A_115 = vector.broadcast %add3A_114 : f32 to vector<64x2048xf32>
      %add3A_116 = arith.addf %add3A_115, %mul3A_113 : vector<64x2048xf32>
      %slice3A_117 = vector.extract_strided_slice %dot_general3A_107 {offsets = [64, 0], sizes = [64, 2048], strides = [1, 1]} : vector<256x2048xf32> to vector<64x2048xf32>
      %mul3A_118 = arith.constant 5.000000e-01 : f32
      %mul3A_119 = vector.broadcast %mul3A_118 : f32 to vector<64x2048xf32>
      %mul3A_120 = arith.mulf %mul3A_119, %slice3A_117 : vector<64x2048xf32>
      %tanh3A_121 = math.tanh %mul3A_120 : vector<64x2048xf32>
      %mul3A_122 = arith.constant 5.000000e-01 : f32
      %mul3A_123 = vector.broadcast %mul3A_122 : f32 to vector<64x2048xf32>
      %mul3A_124 = arith.mulf %mul3A_123, %tanh3A_121 : vector<64x2048xf32>
      %add3A_125 = arith.constant 5.000000e-01 : f32
      %add3A_126 = vector.broadcast %add3A_125 : f32 to vector<64x2048xf32>
      %add3A_127 = arith.addf %add3A_126, %mul3A_124 : vector<64x2048xf32>
      %slice3A_128 = vector.extract_strided_slice %dot_general3A_107 {offsets = [128, 0], sizes = [64, 2048], strides = [1, 1]} : vector<256x2048xf32> to vector<64x2048xf32>
      %tanh3A_129 = math.tanh %slice3A_128 : vector<64x2048xf32>
      %slice3A_130 = vector.extract_strided_slice %dot_general3A_107 {offsets = [192, 0], sizes = [64, 2048], strides = [1, 1]} : vector<256x2048xf32> to vector<64x2048xf32>
      %mul3A_131 = arith.constant 5.000000e-01 : f32
      %mul3A_132 = vector.broadcast %mul3A_131 : f32 to vector<64x2048xf32>
      %mul3A_133 = arith.mulf %mul3A_132, %slice3A_130 : vector<64x2048xf32>
      %tanh3A_134 = math.tanh %mul3A_133 : vector<64x2048xf32>
      %mul3A_135 = arith.constant 5.000000e-01 : f32
      %mul3A_136 = vector.broadcast %mul3A_135 : f32 to vector<64x2048xf32>
      %mul3A_137 = arith.mulf %mul3A_136, %tanh3A_134 : vector<64x2048xf32>
      %add3A_138 = arith.constant 5.000000e-01 : f32
      %add3A_139 = vector.broadcast %add3A_138 : f32 to vector<64x2048xf32>
      %add3A_140 = arith.addf %add3A_139, %mul3A_137 : vector<64x2048xf32>
      %mul3A_141 = arith.mulf %add3A_127, %scan3A_89 : vector<64x2048xf32>
      %mul3A_142 = arith.mulf %add3A_116, %tanh3A_129 : vector<64x2048xf32>
      %add3A_143 = arith.addf %mul3A_141, %mul3A_142 : vector<64x2048xf32>
      %tanh3A_144 = math.tanh %add3A_143 : vector<64x2048xf32>
      %mul3A_145 = arith.mulf %add3A_140, %tanh3A_144 : vector<64x2048xf32>
      scf.yield %mul3A_145, %add3A_143 : vector<64x2048xf32>, vector<64x2048xf32>
    }
    %scan3A_16 = arith.constant 50 : i32
    %max3A = arith.constant 0.000000e+00 : f32
    %max3A_17 = vector.broadcast %max3A : f32 to vector<64x2048xf32>
    %max3A_18 = arith.maximumf %scan3A_15#0, %max3A_17 : vector<64x2048xf32>
    %get3A_19 = arith.constant 0 : index
    %get3A_20 = arith.constant 0 : index
    %get3A_21 = vector.load %arg3[%get3A_19, %get3A_20] : memref<64x64xf32, #tpu.memory_space<vmem>>, vector<64x64xf32>
    %dot_general3A = arith.constant dense<0.000000e+00> : vector<64x2048xf32>
    %dot_general3A_22 = tpu.matmul %get3A_21, %max3A_18, %dot_general3A {dimension_numbers = #tpu.dot_dimension_numbers<[1], [0], [0], [1], [0, 0, 1, 1], [], []>, transpose_lhs_hint = false} : vector<64x64xf32>, vector<64x2048xf32>, vector<64x2048xf32> -> vector<64x2048xf32>
    %get3A_23 = arith.constant 0 : index
    %get3A_24 = arith.constant 0 : index
    %get3A_25 = vector.load %arg4[%get3A_23, %get3A_24] : memref<64x1xf32, #tpu.memory_space<vmem>>, vector<64x1xf32>
    %add3A = vector.broadcast %get3A_25 : vector<64x1xf32> to vector<64x2048xf32>
    %add3A_26 = arith.addf %dot_general3A_22, %add3A : vector<64x2048xf32>
    %max3A_27 = arith.constant 0.000000e+00 : f32
    %max3A_28 = vector.broadcast %max3A_27 : f32 to vector<64x2048xf32>
    %max3A_29 = arith.maximumf %add3A_26, %max3A_28 : vector<64x2048xf32>
    %get3A_30 = arith.constant 0 : index
    %get3A_31 = arith.constant 0 : index
    %get3A_32 = vector.load %arg5[%get3A_30, %get3A_31] : memref<128x64xf32, #tpu.memory_space<vmem>>, vector<128x64xf32>
    %dot_general3A_33 = arith.constant dense<0.000000e+00> : vector<128x2048xf32>
    %dot_general3A_34 = tpu.matmul %get3A_32, %max3A_29, %dot_general3A_33 {dimension_numbers = #tpu.dot_dimension_numbers<[1], [0], [0], [1], [0, 0, 1, 1], [], []>, transpose_lhs_hint = false} : vector<128x64xf32>, vector<64x2048xf32>, vector<128x2048xf32> -> vector<128x2048xf32>
    %get3A_35 = arith.constant 0 : index
    %get3A_36 = arith.constant 0 : index
    %get3A_37 = vector.load %arg6[%get3A_35, %get3A_36] : memref<128x1xf32, #tpu.memory_space<vmem>>, vector<128x1xf32>
    %add3A_38 = vector.broadcast %get3A_37 : vector<128x1xf32> to vector<128x2048xf32>
    %add3A_39 = arith.addf %dot_general3A_34, %add3A_38 : vector<128x2048xf32>
    %max3A_40 = arith.constant 0.000000e+00 : f32
    %max3A_41 = vector.broadcast %max3A_40 : f32 to vector<128x2048xf32>
    %max3A_42 = arith.maximumf %add3A_39, %max3A_41 : vector<128x2048xf32>
    %get3A_43 = arith.constant 0 : index
    %get3A_44 = arith.constant 0 : index
    %get3A_45 = vector.load %arg7[%get3A_43, %get3A_44] : memref<64x128xf32, #tpu.memory_space<vmem>>, vector<64x128xf32>
    %dot_general3A_46 = arith.constant dense<0.000000e+00> : vector<64x2048xf32>
    %dot_general3A_47 = tpu.matmul %get3A_45, %max3A_42, %dot_general3A_46 {dimension_numbers = #tpu.dot_dimension_numbers<[1], [0], [0], [1], [0, 0, 1, 1], [], []>, transpose_lhs_hint = false} : vector<64x128xf32>, vector<128x2048xf32>, vector<64x2048xf32> -> vector<64x2048xf32>
    %get3A_48 = arith.constant 0 : index
    %get3A_49 = arith.constant 0 : index
    %get3A_50 = vector.load %arg8[%get3A_48, %get3A_49] : memref<64x1xf32, #tpu.memory_space<vmem>>, vector<64x1xf32>
    %add3A_51 = vector.broadcast %get3A_50 : vector<64x1xf32> to vector<64x2048xf32>
    %add3A_52 = arith.addf %dot_general3A_47, %add3A_51 : vector<64x2048xf32>
    %max3A_53 = arith.constant 0.000000e+00 : f32
    %max3A_54 = vector.broadcast %max3A_53 : f32 to vector<64x2048xf32>
    %max3A_55 = arith.maximumf %add3A_52, %max3A_54 : vector<64x2048xf32>
    %get3A_56 = arith.constant 0 : index
    %get3A_57 = arith.constant 0 : index
    %get3A_58 = vector.load %arg9[%get3A_56, %get3A_57] : memref<32x64xf32, #tpu.memory_space<vmem>>, vector<32x64xf32>
    %dot_general3A_59 = arith.constant dense<0.000000e+00> : vector<32x2048xf32>
    %dot_general3A_60 = tpu.matmul %get3A_58, %max3A_55, %dot_general3A_59 {dimension_numbers = #tpu.dot_dimension_numbers<[1], [0], [0], [1], [0, 0, 1, 1], [], []>, transpose_lhs_hint = false} : vector<32x64xf32>, vector<64x2048xf32>, vector<32x2048xf32> -> vector<32x2048xf32>
    %get3A_61 = arith.constant 0 : index
    %get3A_62 = arith.constant 0 : index
    %get3A_63 = vector.load %arg10[%get3A_61, %get3A_62] : memref<32x1xf32, #tpu.memory_space<vmem>>, vector<32x1xf32>
    %add3A_64 = vector.broadcast %get3A_63 : vector<32x1xf32> to vector<32x2048xf32>
    %add3A_65 = arith.addf %dot_general3A_60, %add3A_64 : vector<32x2048xf32>
    %max3A_66 = arith.constant 0.000000e+00 : f32
    %max3A_67 = vector.broadcast %max3A_66 : f32 to vector<32x2048xf32>
    %max3A_68 = arith.maximumf %add3A_65, %max3A_67 : vector<32x2048xf32>
    %get3A_69 = arith.constant 0 : index
    %get3A_70 = arith.constant 0 : index
    %get3A_71 = vector.load %arg11[%get3A_69, %get3A_70] : memref<1x32xf32, #tpu.memory_space<vmem>>, vector<1x32xf32>
    %dot_general3A_72 = arith.constant dense<0.000000e+00> : vector<1x2048xf32>
    %dot_general3A_73 = tpu.matmul %get3A_71, %max3A_68, %dot_general3A_72 {dimension_numbers = #tpu.dot_dimension_numbers<[1], [0], [0], [1], [0, 0, 1, 1], [], []>, transpose_lhs_hint = false} : vector<1x32xf32>, vector<32x2048xf32>, vector<1x2048xf32> -> vector<1x2048xf32>
    %get3A_74 = arith.constant 0 : index
    %get3A_75 = arith.constant 0 : index
    %get3A_76 = vector.load %arg12[%get3A_74, %get3A_75] : memref<1x1xf32, #tpu.memory_space<vmem>>, vector<1x1xf32>
    %add3A_77 = vector.broadcast %get3A_76 : vector<1x1xf32> to vector<1x2048xf32>
    %add3A_78 = arith.addf %dot_general3A_73, %add3A_77 : vector<1x2048xf32>
    %logistic3A = arith.negf %add3A_78 : vector<1x2048xf32>
    %logistic3A_79 = math.exp %logistic3A : vector<1x2048xf32>
    %logistic3A_80 = arith.constant 1.000000e+00 : f32
    %logistic3A_81 = vector.broadcast %logistic3A_80 : f32 to vector<1x2048xf32>
    %logistic3A_82 = arith.addf %logistic3A_81, %logistic3A_79 : vector<1x2048xf32>
    %logistic3A_83 = arith.divf %logistic3A_81, %logistic3A_82 : vector<1x2048xf32>
    %swap3A_84 = arith.constant 0 : index
    %swap3A_85 = arith.constant 0 : index
    %swap3A_86 = vector.load %arg13[%swap3A_84, %swap3A_85] : memref<1x2048xf32, #tpu.memory_space<vmem>>, vector<1x2048xf32>
    tpu.vector_store %arg13[%swap3A_84, %swap3A_85], %logistic3A_83 {strides = array<i32>} : memref<1x2048xf32, #tpu.memory_space<vmem>>, vector<1x2048xf32>,
    return
  }
  func.func @transform_0(%arg0: i32) -> (i32, i32) {
    %c0_i32 = arith.constant 0 : i32
    %c0_i32_0 = arith.constant 0 : i32
    return %arg0, %c0_i32 : i32, i32
  }
  func.func @transform_1(%arg0: i32) -> (i32, i32) {
    %c0_i32 = arith.constant 0 : i32
    %c0_i32_0 = arith.constant 0 : i32
    %c0_i32_1 = arith.constant 0 : i32
    return %c0_i32, %c0_i32_0 : i32, i32
  }
  func.func @transform_2(%arg0: i32) -> (i32, i32) {
    %c0_i32 = arith.constant 0 : i32
    %c0_i32_0 = arith.constant 0 : i32
    %c0_i32_1 = arith.constant 0 : i32
    return %c0_i32, %c0_i32_0 : i32, i32
  }
  func.func @transform_3(%arg0: i32) -> (i32, i32) {
    %c0_i32 = arith.constant 0 : i32
    %c0_i32_0 = arith.constant 0 : i32
    %c0_i32_1 = arith.constant 0 : i32
    return %c0_i32, %c0_i32_0 : i32, i32
  }
  func.func @transform_4(%arg0: i32) -> (i32, i32) {
    %c0_i32 = arith.constant 0 : i32
    %c0_i32_0 = arith.constant 0 : i32
    %c0_i32_1 = arith.constant 0 : i32
    return %c0_i32, %c0_i32_0 : i32, i32
  }
  func.func @transform_5(%arg0: i32) -> (i32, i32) {
    %c0_i32 = arith.constant 0 : i32
    %c0_i32_0 = arith.constant 0 : i32
    %c0_i32_1 = arith.constant 0 : i32
    return %c0_i32, %c0_i32_0 : i32, i32
  }
  func.func @transform_6(%arg0: i32) -> (i32, i32) {
    %c0_i32 = arith.constant 0 : i32
    %c0_i32_0 = arith.constant 0 : i32
    %c0_i32_1 = arith.constant 0 : i32
    return %c0_i32, %c0_i32_0 : i32, i32
  }
  func.func @transform_7(%arg0: i32) -> (i32, i32) {
    %c0_i32 = arith.constant 0 : i32
    %c0_i32_0 = arith.constant 0 : i32
    %c0_i32_1 = arith.constant 0 : i32
    return %c0_i32, %c0_i32_0 : i32, i32
  }
  func.func @transform_8(%arg0: i32) -> (i32, i32) {
    %c0_i32 = arith.constant 0 : i32
    %c0_i32_0 = arith.constant 0 : i32
    %c0_i32_1 = arith.constant 0 : i32
    return %c0_i32, %c0_i32_0 : i32, i32
  }
  func.func @transform_9(%arg0: i32) -> (i32, i32) {
    %c0_i32 = arith.constant 0 : i32
    %c0_i32_0 = arith.constant 0 : i32
    %c0_i32_1 = arith.constant 0 : i32
    return %c0_i32, %c0_i32_0 : i32, i32
  }
  func.func @transform_10(%arg0: i32) -> (i32, i32) {
    %c0_i32 = arith.constant 0 : i32
    %c0_i32_0 = arith.constant 0 : i32
    %c0_i32_1 = arith.constant 0 : i32
    return %c0_i32, %c0_i32_0 : i32, i32
  }
  func.func @transform_11(%arg0: i32) -> (i32, i32) {
    %c0_i32 = arith.constant 0 : i32
    %c0_i32_0 = arith.constant 0 : i32
    %c0_i32_1 = arith.constant 0 : i32
    return %c0_i32, %c0_i32_0 : i32, i32
  }
  func.func @transform_12(%arg0: i32) -> (i32, i32) {
    %c0_i32 = arith.constant 0 : i32
    %c0_i32_0 = arith.constant 0 : i32
    return %c0_i32, %arg0 : i32, i32
  }
}

</mosaic_0001>

<sc_bundles>
// kernel: kernel.4.cloned.1.call-start
scs
__scs_entry_jumppad:
0x0: {  	(pc) =	sbr.rel $0x88, $3  }
0x1: {  	(tag) =	ssettag $0x0;
	lr =	simm.s32 $0x1  }
0x2: {  	[smem:$0x3F91] =	sst lr;
	_ =	strace $0xD0000000  }
0x3: {  	_ = 	snop  }
0x4: {  	_ = 	snop  }
0x5: {  	_ = 	snop  }
0x6: {  	_ = 	snop  }
0x7: {  	_ = 	snop  }
__scs_overlays_trampoline_lowered:
0x8: {  	[smem:$0x3FA0] =	sst s0  }
0x9: {  	[smem:$0x3FA1] =	sst s1  }
0xa: {  	[smem:$0x3FA2] =	sst s2  }
0xb: {  	[smem:$0x3FA3] =	sst s3  }
0xc: {  	[smem:$0x3FA4] =	sst s4  }
0xd: {  	[smem:$0x3FA5] =	sst s5  }
0xe: {  	[smem:$0x3FA6] =	sst s6  }
0xf: {  	[smem:$0x3FA7] =	sst s7  }
0x10: {  	[smem:$0x3FA8] =	sst s8  }
0x11: {  	[smem:$0x3FA9] =	sst s9;
	s0 =	simm.s32 @!p0 $0x0  }
0x12: {  	s1 =	sld [smem:$0x3F8F];
	s0 =	simm.s32 @p0 $0x1  }
0x13: {  	[smem:$0x3FAA] =	sst s0;
	s0 =	simm.s32 @!p1 $0x0  }
0x14: {  	s2 =	sld [smem:$0x3F8E];
	s0 =	simm.s32 @p1 $0x1  }
0x15: {  	[smem:$0x3FAB] =	sst s0;
	s0 =	simm.s32 @!p2 $0x0  }
0x16: {  	s3 =	sld [smem:$0x3FDB];
	s0 =	simm.s32 @p2 $0x1  }
0x17: {  	s4 =	simm.s32 $0x1BF5;
	[smem:$0x3FAD] =	sst s0  }
0x18: {  	s0 =	sld [smem:$0x3F90];
	_ =	swait.ge [sflag:s4], $0x0  }
0x19: {  	s7 =	sld [smem:$0x3F91]  }
0x1a: {  	s8 =	sadd.s32 $0xFFFFE003, lr  }
0x1b: {  	s9 =	sadd.s32 $0xFFFFFEF7, lr;
	s5 =	simm.s32 $0xFFFFFFFF;
	p2 =	slt.u32 s8, $0xFFFFF086  }
0x1c: {  	p1 =	slt.u32 s9, $0xF7A;
	s5 =	simm.s32 @!p2 $0x0  }
0x1d: {  	s5 =	simm.s32 @p1 $0x1;
	p0 =	seq.s32 s7, s2  }
0x1e: {  	s7 =	smul.u32 @!p0 $0xF7A, s2;
	p2 =	seq.s32 @!p0 s5, $0x0  }
0x1f: {  	s9 =	smul.u32 $0xF7A, s1;
	s8 =	simm.s32 @!p0 $0x1BF5;
	p2 =	por !p2, p0  }
0x20: {  	[sflag:s8] =	ssyncset.s32 @!p0 $0xFFFFF086;
	s6 =	sadd.s32 @!p0 s3, s7;
	s7 =	simm.s32 @!p0 $0x108  }
0x21: {  	s3 =	sadd.s32 s3, s9;
	s6 =	sadd.s32 @!p0 $0x88, s6;
	s7 =	simm.s32 @p2 $0x1082  }
0x22: {  	[simem:s7], [sflag:s8] =	dma.local @!p0 [hbm:s6], $0xF7A  }
0x23: {  	s9 =	sor.u32 $0xD0000000, s2;
	s6 =	simm.s32 $0x108;
	_ =	swait.ge @!p0 [sflag:s8], $0x0  }
0x24: {  	s3 =	sadd.s32 $0x88, s3;
	s6 =	simm.s32 @!p1 $0x1082;
	[sflag:s4] =	ssyncset.s32 $0xFFFFF086  }
0x25: {  	[simem:s6], [sflag:s4] =	dma.local [hbm:s3], $0xF7A  }
0x26: {  	[smem:$0x3F91] =	sst s1;
	(tag) =	ssettag s2;
	_ =	strace s9  }
0x27: {  	s1 =	sld [smem:$0x3FA1]  }
0x28: {  	s2 =	sld [smem:$0x3FA2]  }
0x29: {  	s4 =	sld [smem:$0x3FA4]  }
0x2a: {  	p0 =	seq.s32 s5, $0x0;
	s5 =	sld [smem:$0x3FA5]  }
0x2b: {  	s6 =	sld [smem:$0x3FA6]  }
0x2c: {  	s7 =	sld [smem:$0x3FA7]  }
0x2d: {  	s3 =	simm.s32 $0x108;
	s8 =	sld [smem:$0x3FA8]  }
0x2e: {  	s3 =	simm.s32 @!p0 $0x1082;
	s9 =	sld [smem:$0x3FA9]  }
0x2f: {  	lr =	sadd.s32 s0, s3;
	s0 =	sld [smem:$0x3FA0]  }
0x30: {  	s3 =	sld [smem:$0x3FA3]  }
0x31: {  	[smem:$0x3FAC] =	sst s10  }
0x32: {  	s10 =	sld [smem:$0x3FAA];
	_ =	sdelay $0x3  }
0x33: {  	p0 =	seq.s32 s10, $0x1;
	s10 =	sld [smem:$0x3FAC];
	_ =	sdelay $0x3  }
0x34: {  	[smem:$0x3FAC] =	sst s10  }
0x35: {  	s10 =	sld [smem:$0x3FAB];
	_ =	sdelay $0x3  }
0x36: {  	p1 =	seq.s32 s10, $0x1;
	s10 =	sld [smem:$0x3FAC];
	_ =	sdelay $0x3  }
0x37: {  	[smem:$0x3FAC] =	sst s10  }
0x38: {  	s10 =	sld [smem:$0x3FAD]  }
0x39: {  	_ = 	snop;
	(pc) =	sbr.ind lr, $3  }
0x3a: {  	_ = 	snop  }
0x3b: {  	_ = 	snop  }
0x3c: {  	p2 =	seq.s32 s10, $0x1;
	s10 =	sld [smem:$0x3FAC]  }
0x3d: {  	_ =	shalt  }
0x3e: {  	_ =	shalt  }
0x3f: {  	_ =	shalt  }
0x40: {  	_ =	shalt  }
0x41: {  	_ =	shalt  }
0x42: {  	_ =	shalt  }
0x43: {  	_ =	shalt  }
0x44: {  	_ =	shalt  }
0x45: {  	_ =	shalt  }
0x46: {  	_ =	shalt  }
0x47: {  	_ =	shalt  }
0x48: {  	_ =	shalt  }
0x49: {  	_ =	shalt  }
0x4a: {  	_ =	shalt  }
0x4b: {  	_ =	shalt  }
0x4c: {  	_ =	shalt  }
0x4d: {  	_ =	shalt  }
0x4e: {  	_ =	shalt  }
0x4f: {  	_ =	shalt  }
0x50: {  	_ =	shalt  }
0x51: {  	_ =	shalt  }
0x52: {  	_ =	shalt  }
0x53: {  	_ =	shalt  }
0x54: {  	_ =	shalt  }
0x55: {  	_ =	shalt  }
0x56: {  	_ =	shalt  }
0x57: {  	_ =	shalt  }
0x58: {  	_ =	shalt  }
0x59: {  	_ =	shalt  }
0x5a: {  	_ =	shalt  }
0x5b: {  	_ =	shalt  }
0x5c: {  	_ =	shalt  }
0x5d: {  	_ =	shalt  }
0x5e: {  	_ =	shalt  }
0x5f: {  	_ =	shalt  }
0x60: {  	_ =	shalt  }
0x61: {  	_ =	shalt  }
0x62: {  	_ =	shalt  }
0x63: {  	_ =	shalt  }
0x64: {  	_ =	shalt  }
0x65: {  	_ =	shalt  }
0x66: {  	_ =	shalt  }
0x67: {  	_ =	shalt  }
0x68: {  	_ =	shalt  }
0x69: {  	_ =	shalt  }
0x6a: {  	_ =	shalt  }
0x6b: {  	_ =	shalt  }
0x6c: {  	_ =	shalt  }
0x6d: {  	_ =	shalt  }
0x6e: {  	_ =	shalt  }
0x6f: {  	_ =	shalt  }
0x70: {  	_ =	shalt  }
0x71: {  	_ =	shalt  }
0x72: {  	_ =	shalt  }
0x73: {  	_ =	shalt  }
0x74: {  	_ =	shalt  }
0x75: {  	_ =	shalt  }
0x76: {  	_ =	shalt  }
0x77: {  	_ =	shalt  }
0x78: {  	_ =	shalt  }
0x79: {  	_ =	shalt  }
0x7a: {  	_ =	shalt  }
0x7b: {  	_ =	shalt  }
0x7c: {  	_ =	shalt  }
0x7d: {  	_ =	shalt  }
0x7e: {  	_ =	shalt  }
0x7f: {  	_ =	shalt  }
0x80: {  	_ =	shalt  }
0x81: {  	_ =	shalt  }
0x82: {  	_ =	shalt  }
0x83: {  	_ =	shalt  }
0x84: {  	_ =	shalt  }
0x85: {  	_ =	shalt  }
0x86: {  	_ =	shalt  }
0x87: {  	_ =	shalt  }
.Lfunc_end0:
.L_simem_size_0:
called_computation_lowered:
.L_overlay_start_0:
0x88: {  	s2 =	sld [smem:$0x3FD9]  }
0x89: {  	s3 =	sld [smem:$0x3FFE];
	_ =	sdelay $0x1  }
0x8a: {  	s1 =	srdreg.scid  }
0x8b: {  	s0 =	sand.u32 $0x1, s1  }
0x8c: {  	s16 =	sshll.u32 s0, $0xA;
	s2 =	sadd.s32 s3, s2  }
0x8d: {  	s2 =	sadd.s32 s2, s16  }
0x8e: {  	[smem:$0x3FB8] =	sst s2  }
0x8f: {  	_ = 	snop  }
0x90: {  	(tm) =	ssettm $0x1  }
0x91: {  	s17 =	sld [smem:$0x3FFB];
	_ =	sdelay $0x3  }
0x92: {  	_ =	strace s17  }
0x93: {  	s2 =	sld [smem:$0x3FFC];
	_ =	sdelay $0x3  }
0x94: {  	_ =	strace s2  }
0x95: {  	s2 =	sld [smem:$0x3FFD];
	_ =	sdelay $0x3  }
0x96: {  	_ =	strace s2  }
0x97: {  	_ =	strace $0x8FFFFFFF  }
0x98: {  	s18 =	sld [smem:$0x3FDB];
	_ =	sdelay $0x1  }
0x99: {  	s19 =	simm.s32 $_scs_section_size  }
0x9a: {  	s4 =	simm.s32 $_size__tile_overlayer_lowered;
	s5 =	simm.s32 $_tile_overlayer_lowered  }
0x9b: {  	s22 =	simm.s32 $0x1BFF;
	s21 =	sshll.u32 s5, $0x1;
	s2 =	sadd.s32 s19, s18  }
0x9c: {  	s6 =	simm.s32 $0x0;
	s20 =	sshll.u32 s4, $0x1;
	s4 =	sadd.s32 s21, s2  }
0x9d: {  	[timem:s6], [sflag:s22] =	dma.local [hbm:s4], s20  }
0x9e: {  	_ =	swait.ge [sflag:s22], s20  }
0x9f: {  	s3 =	ssub.s32 $0x0, s20;
	[sflag:s22] =	ssyncset.done $0x0  }
0xa0: {  	[sflag:s22] =	ssyncadd.s32 s3;
	_ =	sdelay $0x1  }
0xa1: {  	s23 =	simm.s32 $0x1B8B  }
0xa2: {  	_ =	swait.ge [sflag:s23], $0x1  }
0xa3: {  	[sflag:s23] =	ssyncset.done $0x0  }
0xa4: {  	s25 =	simm.s32 $0x1B8E;
	s24 =	sld [smem:$0x3FFE];
	[sflag:s23] =	ssyncadd.s32 $0xFFFFFFFF  }
0xa5: {  	s26 =	simm.s32 $execute0_lowered;
	[smem:$0x3FD2] =	sst s25  }
0xa6: {  	s4 =	sshll.u32 s26, $0x1;
	_ =	strace $0x80000046;
	[dreg:$0x1] =	wrdreg $0xFFFFFFFF  }
0xa7: {  	s28 =	simm.s32 $_size_execute0_lowered;
	s2 =	sadd.s32 s2, s4;
	[dreg:$0x0] =	wrdreg $0x0  }
0xa8: {  	s4 =	sshll.u32 s28, $0x1;
	[dreg:$0x2] =	wrdreg s2  }
0xa9: {  	[dreg:$0x3] =	wrdreg s4  }
0xaa: {  	[dreg:$0x4] =	wrdreg $0xC0  }
0xab: {  	_ =	task [dreg:s6], $0x5FFFF  }
0xac: {  	[dreg:$0x1] =	wrdreg $0xFFFFFFFF  }
0xad: {  	[dreg:$0x0] =	wrdreg $0x60  }
0xae: {  	[dreg:$0x2] =	wrdreg s24  }
0xaf: {  	[dreg:$0x3] =	wrdreg $0x9  }
0xb0: {  	_ =	task.clear_ibuf [dreg:s6], $0x4FFFF;
	_ =	strace $0x90000046  }
0xb1: {  	s29 =	simm.s32 $0x9;
	_ =	strace $0x80000048  }
0xb2: {  	_ =	swait.ge [sflag:s29], $0x1  }
0xb3: {  	[sflag:s29] =	ssyncadd.s32 $0xFFFFFFFF  }
0xb4: {  	_ =	strace $0x90000048  }
0xb5: {  	_ =	sfence  }
0xb6: {  	s30 =	sld [smem:$0x0];
	_ =	sdelay $0x2  }
0xb7: {  	s31 =	sshll.u32 s1, $0xD;
	s1 =	sshrl.u32 s1, $0x2  }
0xb8: {  	s3 =	sand.u32 $0x4000, s31;
	s1 =	sadd.s32 s1, s30  }
0xb9: {  	s0 =	sor.u32 s3, s0;
	s1 =	sshll.u32 s1, $0x11  }
0xba: {  	s0 =	sor.u32 s1, s0  }
0xbb: {  	s0 =	sadd.s32 $0x8F2B, s0  }
0xbc: {  	[sflag:s0] =	ssyncadd.remote.s32 $0x1  }
0xbd: {  	_ =	sfence.sel $0xFFFF  }
0xbe: {  	[dreg:$0x0] =	wrdreg $0xFFFFFFFF;
	(pc) =	sbr.abs _section_cstart, $3  }
0xbf: {  	[dreg:$0x1] =	wrdreg $0xFFFFFFFF  }
0xc0: {  	_ =	task.clear_ibuf [dreg:s6], $0x2FFFF;
	_ =	strace $0x9FFFFFFF  }
0xc1: {  	(tm) =	ssettm $0x7FFFFFFF  }
tec
execute0_lowered:
.L_overlay_start_1:
0x0: {  	(tag) =	ssettag $0x1  }
0x1: {  	s1 =	srdreg.scid;
	s0 =	stileid.u32  }
0x2: {  	s5 =	rddreg [dreg:$0x0];
	s2 =	simm.s32 $0x0;
	s8 =	simm.s32 $0x80  }
0x3: {  	s9 =	simm.s32 $0x1;
	s4 =	sand.u32 $0x1, s1;
	s30 =	sshll.u32 s0, $0x1  }
0x4: {  	s10 =	simm.s32 $0x1900;
	s1 =	rddreg [dreg:$0x1];
	s3 =	sor.u32 s4, s30  }
0x5: {  	s11 =	simm.s32 $0x0;
	[smem:$0x7FF] =	sst s2;
	s6 =	smul.u32 $0x320, s3  }
0x6: {  	_ =	strace $0x80000047;
	s4 =	ssub.s32 $0x2, s4;
	s7 =	smul.u32 $0x3200, s3  }
0x7: {  	s3 =	sadd.s32 $0xF44400, s5;
	s31 =	sshrl.u32 s4, $0x1;
	s6 =	sadd.s32 s6, s5  }
0x8: {  	s5 =	sadd.s32 s7, s5;
	s7 =	ssub.s32 s4, s31;
	s4 =	sadd.s32 $0x2000, s6  }
0x9: {  	s5 =	sadd.s32 $0x8400, s5;
	s6 =	smax.u32 s7, $0x1;
	s7 =	simm.s32 $0x2  }
.LBB2_1:
0xa: {  	[tilespmem:s2], [sflag:$0x2] =	stream.linear.gather [hbm4b:s4+s2], $0x1900, $0x38;
	[tilespmem:$0x1A900] =	vst v63  }
0xb: {  	_ =	swait.ge [sflag:s7], $0x1900  }
0xc: {  	[sflag:s7] =	ssyncset.done $0x0  }
0xd: {  	s12 =	simm.s32 $0x1900;
	s13 =	simm.s32 $0x0;
	[sflag:s7] =	ssyncadd.s32 $0xFFFFE700  }
.LBB2_2:
0xe: {  	p0 =	sne.s32 s13, $0x6200  }
.Ltmp0:
0xf: {  	_ = 	snop;
	(pc) =	sbr.rel @p0 .LBB2_2-.Ltmp0, $4  }
0x10: {  	_ = 	snop  }
0x11: {  	s14 =	sshra.s32 s13, $0x2  }
0x12: {  	[tilespmem:s12], [sflag:$0x1] =	stream.indirect.gather [hbm4b:s3+s8], $0x10, s14, s8, $0xb8;
	[tilespmem:$0x1A900] =	vst v63  }
0x13: {  	s13 =	sadd.s32 $0x200, s13;
	s12 =	sadd.s32 $0x800, s12  }
0x14: {  	_ =	swait.ge [sflag:s9], $0x800  }
0x15: {  	s12 =	simm.s32 $0x31;
	[sflag:s9] =	ssyncset.done $0x0  }
.LBB2_4:
0x16: {  	p0 =	sne.s32 s12, $0x1;
	s12 =	sadd.s32 $0xFFFFFFFF, s12;
	[sflag:s9] =	ssyncadd.s32 $0xFFFFF800  }
.Ltmp1:
0x17: {  	(pc) =	sbr.rel @p0 .LBB2_4-.Ltmp1, $3  }
0x18: {  	_ =	sdelay $0x1  }
0x19: {  	_ =	swait.ge [sflag:s9], $0x800  }
0x1a: {  	[sflag:s9] =	ssyncset.done $0x0  }
0x1b: {  	s11 =	sadd.s32 $0x1, s11  }
0x1c: {  	p0 =	sne.s32 s11, s6  }
.Ltmp2:
0x1d: {  	[sflag:s9] =	ssyncadd.s32 $0xFFFFF800;
	(pc) =	sbr.rel @p0 .LBB2_1-.Ltmp2, $4  }
0x1e: {  	[hbm4b:s5+s2] =	stream.linear.scatter [tilespmem:s10], [sflag:$0x2], $0x19000, $0x38;
	[tilespmem:$0x1A900] =	vst v63  }
0x1f: {  	_ =	swait.ge [sflag:s7], $0x19000  }
0x20: {  	[sflag:s7] =	ssyncset.done $0x0  }
0x21: {  	[sflag:s7] =	ssyncadd.s32 $0xFFFE7000  }
0x22: {  	_ =	sfence.sel $0x180000  }
0x23: {  	[bflag:$0x0] =	sbarrier.arrive $0xFFFF  }
0x24: {  	p0 =	sne.s32 s0, $0x0;
	_ =	strace $0x90000047  }
0x25: {  	s0 =	sadd.s32 @!p0 $0x100000, s1;
	[bflag:$0x2] =	sbarrier.arrive $0xFFFF  }
0x26: {  	[sflag:s0] =	ssyncadd.tile.s32 @!p0 $0x1;
	_ =	shalt  }
.Lfunc_end2:
_tile_overlayer_lowered:
.L_overlay_start_2:
0x27: {  	(tag) =	ssettag $0x2  }
0x28: {  	s0 =	rddreg [dreg:$0x0];
	s2 =	stileid.u32  }
0x29: {  	s1 =	rddreg [dreg:$0x1];
	p0 =	sne.s32 s2, $0x0  }
0x2a: {  	s3 =	rddreg [dreg:$0x2];
	[bflag:$0x3] =	sbarrier.arrive $0xFFFF;
	s2 =	simm.s32 @!p0 $0x1C02  }
0x2b: {  	[timem:s3], [sflag:s2] =	dma.local @!p0 [hbm:s0], s1  }
0x2c: {  	s0 =	simm.s32 @!p0 $0x2  }
0x2d: {  	_ =	swait.ge @!p0 [sflag:s0], s1  }
0x2e: {  	s1 =	ssub.s32 @!p0 $0x0, s1;
	[sflag:s0] =	ssyncset.done @!p0 $0x0  }
0x2f: {  	[sflag:s0] =	ssyncadd.s32 @!p0 s1  }
0x30: {  	[bflag:$0x3] =	sbarrier.arrive $0xFFFF  }
0x31: {  	_ =	shalt  }

</sc_bundles>
